<compile_context>
chip_gen: v7x
topology: tpu7x:2x2x1
jax: 0.10.2.dev20260603
libtpu: 0.0.44.dev20260713+nightly
codegen_flags: <defaults>
</compile_context>

<pallas_src>
import functools

import jax
import jax.numpy as jnp
from jax import lax
from jax.experimental import pallas as pl
from jax.experimental.pallas import tpu as pltpu
from jax.experimental.pallas import tpu_sc as plsc

D = 128
NC = 2
NS = 16
NW = NC * NS
CH = 64
NBUF = 5


@functools.partial(jax.jit, static_argnums=(2,))
def _gather(idx3d, table, n_chunks):
    assert n_chunks % NBUF == 0
    mesh = plsc.VectorSubcoreMesh(core_axis_name="c", subcore_axis_name="s")
    bpw = n_chunks * CH

    @functools.partial(
        pl.kernel,
        out_type=jax.ShapeDtypeStruct((NW, bpw, D), jnp.float32),
        mesh=mesh,
        scratch_types=(
            [pltpu.VMEM((n_chunks, CH), jnp.int32)]
            + [pltpu.VMEM((CH, D), jnp.float32)] * NBUF
            + [pltpu.SemaphoreType.DMA] * (2 * NBUF)
        ),
    )
    def k(idx_hbm, table_hbm, out_hbm, idx_v, *bufs_and_sems):
        bufs = bufs_and_sems[:NBUF]
        gs = bufs_and_sems[NBUF:2 * NBUF]
        ws = bufs_and_sems[2 * NBUF:]
        wid = lax.axis_index("s") * NC + lax.axis_index("c")
        pltpu.sync_copy(idx_hbm.at[wid], idx_v)

        def gather(c, buf, sem):
            return pltpu.make_async_copy(table_hbm.at[idx_v.at[c]], buf, sem)

        def wb(c, buf, sem):
            return pltpu.make_async_copy(
                buf, out_hbm.at[wid, pl.ds(c * CH, CH)], sem)

        for j in range(NBUF):
            gather(j, bufs[j], gs[j]).start()

        @pl.loop(0, n_chunks, step=NBUF)
        def _body(c0):
            for j in range(NBUF):
                gather(0, bufs[j], gs[j]).wait()
                wb(c0 + j, bufs[j], ws[j]).start()
            for j in range(NBUF):
                wb(0, bufs[j], ws[j]).wait()

                @pl.when(c0 + NBUF + j < n_chunks)
                def _refill(j=j):
                    gather(c0 + NBUF + j, bufs[j], gs[j]).start()

    return k(idx3d, table)


def kernel(token_ids, table):
    s, t = token_ids.shape
    b = s * t
    n_chunks = b // (NW * CH)
    idx3d = token_ids.reshape(NW, n_chunks, CH).astype(jnp.int32)
    out = _gather(idx3d, table, n_chunks)
    return out.reshape(s, t, D)

# --- scband reference (transcript-rebuilt; emitter-appended) ---
"""Pipeline reference for scband-token-embedding-18494129176838 (READ-ONLY COPY).

The authoritative reference and input builder live on the scoring server;
editing this copy changes nothing except your own understanding.
"""

import jax, jax.numpy as jnp
import numpy as np

VOCAB_SIZE = 100000
D_MODEL = 128

def setup_inputs(seed: int = 0) -> dict:
    key = jax.random.key(seed)
    k1, k2 = jax.random.split(key)
    token_ids = jax.random.randint(k1, (1024, 200), 0, VOCAB_SIZE, dtype=jnp.int64 if jax.config.jax_enable_x64 else jnp.int32)
    # learned embedding table, init normal(0, 0.02) matching torch init
    table = jax.random.normal(k2, (VOCAB_SIZE, D_MODEL), dtype=jnp.float32) * 0.02
    return {"token_ids": token_ids, "table": table}

def reference(token_ids, table):
    # nn.Embedding forward == row gather from table
    return jnp.take(table, token_ids, axis=0)

if __name__ == "__main__":
    import jax
    _d = setup_inputs()
    print(jax.jit(kernel)(*tuple(_d.values())))

</pallas_src>

<mosaic_0001>
#map = affine_map<(d0, d1) -> (0, 0, 0)>
#map1 = affine_map<(d0, d1) -> (0, 0)>
module attributes {stable_mosaic.version = 14 : i64} {
  func.func @k(%arg0: i32, %arg1: i32, %arg2: memref<32x100x64xi32, #tpu.memory_space<hbm>>, %arg3: memref<100000x128xf32, #tpu.memory_space<hbm>>, %arg4: memref<32x6400x128xf32, #tpu.memory_space<hbm>>, %arg5: memref<100x64xi32, #tpu.memory_space<vmem>>, %arg6: memref<64x128xf32, #tpu.memory_space<vmem>>, %arg7: memref<64x128xf32, #tpu.memory_space<vmem>>, %arg8: memref<64x128xf32, #tpu.memory_space<vmem>>, %arg9: memref<64x128xf32, #tpu.memory_space<vmem>>, %arg10: memref<64x128xf32, #tpu.memory_space<vmem>>, %arg11: memref<!tpu.dma_semaphore, #tpu.memory_space<semaphore_mem>>, %arg12: memref<!tpu.dma_semaphore, #tpu.memory_space<semaphore_mem>>, %arg13: memref<!tpu.dma_semaphore, #tpu.memory_space<semaphore_mem>>, %arg14: memref<!tpu.dma_semaphore, #tpu.memory_space<semaphore_mem>>, %arg15: memref<!tpu.dma_semaphore, #tpu.memory_space<semaphore_mem>>, %arg16: memref<!tpu.dma_semaphore, #tpu.memory_space<semaphore_mem>>, %arg17: memref<!tpu.dma_semaphore, #tpu.memory_space<semaphore_mem>>, %arg18: memref<!tpu.dma_semaphore, #tpu.memory_space<semaphore_mem>>, %arg19: memref<!tpu.dma_semaphore, #tpu.memory_space<semaphore_mem>>, %arg20: memref<!tpu.dma_semaphore, #tpu.memory_space<semaphore_mem>>) attributes {dimension_semantics = [#tpu.dimension_semantics<core_parallel>, #tpu.dimension_semantics<subcore_parallel>], iteration_bounds = array<i64: 2, 16>, scalar_prefetch = 0 : i64, scratch_operands = 16 : i64, tpu.core_type = #tpu.core_type<sc_vector_subcore>, window_params = [{transform_indices = #map}, {transform_indices = #map1}, {transform_indices = #map}]} {
    %mul3A = arith.constant 2 : i32
    %mul3A_0 = arith.muli %arg1, %mul3A : i32
    %add3A = arith.addi %mul3A_0, %arg0 : i32
    "tpu.region"() ({
      %run_scoped3A = tpu.sem_alloc : memref<!tpu.dma_semaphore, #tpu.memory_space<semaphore_mem>>
      %dma_start3A_39 = arith.constant 0 : i32
      %dma_start3A_40 = arith.constant 0 : i32
      %dma_start3A_41 = tpu.memref_slice %arg2[%add3A, %dma_start3A_39, %dma_start3A_40] : memref<32x100x64xi32, #tpu.memory_space<hbm>> -> memref<1x100x64xi32, #tpu.memory_space<hbm>>
      %dma_start3A_42 = tpu.memref_squeeze %dma_start3A_41 : memref<1x100x64xi32, #tpu.memory_space<hbm>> -> memref<100x64xi32, #tpu.memory_space<hbm>>
      %dma_start3A_43 = arith.constant 0 : i32
      %dma_start3A_44 = arith.constant 0 : i32
      %dma_start3A_45 = tpu.memref_slice %arg2[%add3A, %dma_start3A_43, %dma_start3A_44] : memref<32x100x64xi32, #tpu.memory_space<hbm>> -> memref<1x100x64xi32, #tpu.memory_space<hbm>>
      %dma_start3A_46 = tpu.memref_squeeze %dma_start3A_45 : memref<1x100x64xi32, #tpu.memory_space<hbm>> -> memref<100x64xi32, #tpu.memory_space<hbm>>
      tpu.enqueue_dma source(%dma_start3A_46 : memref<100x64xi32, #tpu.memory_space<hbm>>) target(%arg5 : memref<100x64xi32, #tpu.memory_space<vmem>>) target_semaphore(%run_scoped3A : memref<!tpu.dma_semaphore, #tpu.memory_space<semaphore_mem>>)
      %dma_wait3A = arith.constant 0 : i32
      %dma_wait3A_47 = arith.constant 0 : i32
      %dma_wait3A_48 = tpu.memref_slice %arg2[%add3A, %dma_wait3A, %dma_wait3A_47] : memref<32x100x64xi32, #tpu.memory_space<hbm>> -> memref<1x100x64xi32, #tpu.memory_space<hbm>>
      %dma_wait3A_49 = tpu.memref_squeeze %dma_wait3A_48 : memref<1x100x64xi32, #tpu.memory_space<hbm>> -> memref<100x64xi32, #tpu.memory_space<hbm>>
      %dma_wait3A_50 = arith.constant 0 : i32
      %dma_wait3A_51 = arith.constant 0 : i32
      %dma_wait3A_52 = tpu.memref_slice %arg2[%add3A, %dma_wait3A_50, %dma_wait3A_51] : memref<32x100x64xi32, #tpu.memory_space<hbm>> -> memref<1x100x64xi32, #tpu.memory_space<hbm>>
      %dma_wait3A_53 = tpu.memref_squeeze %dma_wait3A_52 : memref<1x100x64xi32, #tpu.memory_space<hbm>> -> memref<100x64xi32, #tpu.memory_space<hbm>>
      tpu.wait_dma2 semaphore(%run_scoped3A : memref<!tpu.dma_semaphore, #tpu.memory_space<semaphore_mem>>) src(%dma_wait3A_53 : memref<100x64xi32, #tpu.memory_space<hbm>>) dst(%arg5 : memref<100x64xi32, #tpu.memory_space<vmem>>)
      tpu.yield
    }) : () -> ()
    %dma_start3A = arith.constant 0 : i32
    %dma_start3A_1 = arith.constant 0 : i32
    %dma_start3A_2 = tpu.memref_slice %arg5[%dma_start3A, %dma_start3A_1] : memref<100x64xi32, #tpu.memory_space<vmem>> -> memref<1x64xi32, #tpu.memory_space<vmem>>
    %dma_start3A_3 = tpu.memref_squeeze %dma_start3A_2 : memref<1x64xi32, #tpu.memory_space<vmem>> -> memref<64xi32, #tpu.memory_space<vmem>>
    %dma_start3A_4 = arith.constant 0 : i32
    %dma_start3A_5 = arith.constant 0 : i32
    %dma_start3A_6 = tpu.memref_slice %arg3[%dma_start3A_4, %dma_start3A_5] : memref<100000x128xf32, #tpu.memory_space<hbm>> -> memref<100000x128xf32, #tpu.memory_space<hbm>>
    tpu.enqueue_indirect_dma source(%dma_start3A_6 : memref<100000x128xf32, #tpu.memory_space<hbm>>) target(%arg6 : memref<64x128xf32, #tpu.memory_space<vmem>>) offsets(%dma_start3A_3 : memref<64xi32, #tpu.memory_space<vmem>>) semaphore(%arg11 : memref<!tpu.dma_semaphore, #tpu.memory_space<semaphore_mem>>)
    %dma_start3A_7 = arith.constant 1 : i32
    %dma_start3A_8 = arith.constant 0 : i32
    %dma_start3A_9 = tpu.memref_slice %arg5[%dma_start3A_7, %dma_start3A_8] : memref<100x64xi32, #tpu.memory_space<vmem>> -> memref<1x64xi32, #tpu.memory_space<vmem>>
    %dma_start3A_10 = tpu.memref_squeeze %dma_start3A_9 : memref<1x64xi32, #tpu.memory_space<vmem>> -> memref<64xi32, #tpu.memory_space<vmem>>
    %dma_start3A_11 = arith.constant 0 : i32
    %dma_start3A_12 = arith.constant 0 : i32
    %dma_start3A_13 = tpu.memref_slice %arg3[%dma_start3A_11, %dma_start3A_12] : memref<100000x128xf32, #tpu.memory_space<hbm>> -> memref<100000x128xf32, #tpu.memory_space<hbm>>
    tpu.enqueue_indirect_dma source(%dma_start3A_13 : memref<100000x128xf32, #tpu.memory_space<hbm>>) target(%arg7 : memref<64x128xf32, #tpu.memory_space<vmem>>) offsets(%dma_start3A_10 : memref<64xi32, #tpu.memory_space<vmem>>) semaphore(%arg12 : memref<!tpu.dma_semaphore, #tpu.memory_space<semaphore_mem>>)
    %dma_start3A_14 = arith.constant 2 : i32
    %dma_start3A_15 = arith.constant 0 : i32
    %dma_start3A_16 = tpu.memref_slice %arg5[%dma_start3A_14, %dma_start3A_15] : memref<100x64xi32, #tpu.memory_space<vmem>> -> memref<1x64xi32, #tpu.memory_space<vmem>>
    %dma_start3A_17 = tpu.memref_squeeze %dma_start3A_16 : memref<1x64xi32, #tpu.memory_space<vmem>> -> memref<64xi32, #tpu.memory_space<vmem>>
    %dma_start3A_18 = arith.constant 0 : i32
    %dma_start3A_19 = arith.constant 0 : i32
    %dma_start3A_20 = tpu.memref_slice %arg3[%dma_start3A_18, %dma_start3A_19] : memref<100000x128xf32, #tpu.memory_space<hbm>> -> memref<100000x128xf32, #tpu.memory_space<hbm>>
    tpu.enqueue_indirect_dma source(%dma_start3A_20 : memref<100000x128xf32, #tpu.memory_space<hbm>>) target(%arg8 : memref<64x128xf32, #tpu.memory_space<vmem>>) offsets(%dma_start3A_17 : memref<64xi32, #tpu.memory_space<vmem>>) semaphore(%arg13 : memref<!tpu.dma_semaphore, #tpu.memory_space<semaphore_mem>>)
    %dma_start3A_21 = arith.constant 3 : i32
    %dma_start3A_22 = arith.constant 0 : i32
    %dma_start3A_23 = tpu.memref_slice %arg5[%dma_start3A_21, %dma_start3A_22] : memref<100x64xi32, #tpu.memory_space<vmem>> -> memref<1x64xi32, #tpu.memory_space<vmem>>
    %dma_start3A_24 = tpu.memref_squeeze %dma_start3A_23 : memref<1x64xi32, #tpu.memory_space<vmem>> -> memref<64xi32, #tpu.memory_space<vmem>>
    %dma_start3A_25 = arith.constant 0 : i32
    %dma_start3A_26 = arith.constant 0 : i32
    %dma_start3A_27 = tpu.memref_slice %arg3[%dma_start3A_25, %dma_start3A_26] : memref<100000x128xf32, #tpu.memory_space<hbm>> -> memref<100000x128xf32, #tpu.memory_space<hbm>>
    tpu.enqueue_indirect_dma source(%dma_start3A_27 : memref<100000x128xf32, #tpu.memory_space<hbm>>) target(%arg9 : memref<64x128xf32, #tpu.memory_space<vmem>>) offsets(%dma_start3A_24 : memref<64xi32, #tpu.memory_space<vmem>>) semaphore(%arg14 : memref<!tpu.dma_semaphore, #tpu.memory_space<semaphore_mem>>)
    %dma_start3A_28 = arith.constant 4 : i32
    %dma_start3A_29 = arith.constant 0 : i32
    %dma_start3A_30 = tpu.memref_slice %arg5[%dma_start3A_28, %dma_start3A_29] : memref<100x64xi32, #tpu.memory_space<vmem>> -> memref<1x64xi32, #tpu.memory_space<vmem>>
    %dma_start3A_31 = tpu.memref_squeeze %dma_start3A_30 : memref<1x64xi32, #tpu.memory_space<vmem>> -> memref<64xi32, #tpu.memory_space<vmem>>
    %dma_start3A_32 = arith.constant 0 : i32
    %dma_start3A_33 = arith.constant 0 : i32
    %dma_start3A_34 = tpu.memref_slice %arg3[%dma_start3A_32, %dma_start3A_33] : memref<100000x128xf32, #tpu.memory_space<hbm>> -> memref<100000x128xf32, #tpu.memory_space<hbm>>
    tpu.enqueue_indirect_dma source(%dma_start3A_34 : memref<100000x128xf32, #tpu.memory_space<hbm>>) target(%arg10 : memref<64x128xf32, #tpu.memory_space<vmem>>) offsets(%dma_start3A_31 : memref<64xi32, #tpu.memory_space<vmem>>) semaphore(%arg15 : memref<!tpu.dma_semaphore, #tpu.memory_space<semaphore_mem>>)
    %scan3A = arith.constant 0 : i32
    %scan3A_35 = arith.constant 20 : i32
    %scan3A_36 = arith.addi %scan3A, %scan3A_35 : i32
    %scan3A_37 = arith.constant 1 : i32
    scf.for %scan3A_39 = %scan3A to %scan3A_36 step %scan3A_37  : i32 {
      %mul3A_40 = arith.constant 5 : i32
      %mul3A_41 = arith.muli %scan3A_39, %mul3A_40 : i32
      %add3A_42 = arith.constant 0 : i32
      %add3A_43 = arith.addi %add3A_42, %mul3A_41 : i32
      %dma_wait3A = arith.constant 0 : i32
      %dma_wait3A_44 = arith.constant 0 : i32
      %dma_wait3A_45 = tpu.memref_slice %arg5[%dma_wait3A, %dma_wait3A_44] : memref<100x64xi32, #tpu.memory_space<vmem>> -> memref<1x64xi32, #tpu.memory_space<vmem>>
      %dma_wait3A_46 = tpu.memref_squeeze %dma_wait3A_45 : memref<1x64xi32, #tpu.memory_space<vmem>> -> memref<64xi32, #tpu.memory_space<vmem>>
      %dma_wait3A_47 = arith.constant 0 : i32
      %dma_wait3A_48 = arith.constant 0 : i32
      %dma_wait3A_49 = tpu.memref_slice %arg3[%dma_wait3A_47, %dma_wait3A_48] : memref<100000x128xf32, #tpu.memory_space<hbm>> -> memref<100000x128xf32, #tpu.memory_space<hbm>>
      tpu.wait_indirect_dma semaphore(%arg11 : memref<!tpu.dma_semaphore, #tpu.memory_space<semaphore_mem>>) src(%dma_wait3A_49 : memref<100000x128xf32, #tpu.memory_space<hbm>>) dst(%arg6 : memref<64x128xf32, #tpu.memory_space<vmem>>)
      %add3A_50 = arith.constant 0 : i32
      %add3A_51 = arith.addi %add3A_43, %add3A_50 : i32
      %mul3A_52 = arith.constant 64 : i32
      %mul3A_53 = arith.muli %add3A_51, %mul3A_52 : i32
      %dma_start3A_54 = arith.constant 0 : i32
      %dma_start3A_55 = tpu.memref_slice %arg4[%add3A, %mul3A_53, %dma_start3A_54] : memref<32x6400x128xf32, #tpu.memory_space<hbm>> -> memref<1x64x128xf32, #tpu.memory_space<hbm>>
      %dma_start3A_56 = tpu.memref_squeeze %dma_start3A_55 : memref<1x64x128xf32, #tpu.memory_space<hbm>> -> memref<64x128xf32, #tpu.memory_space<hbm>>
      %dma_start3A_57 = arith.constant 0 : i32
      %dma_start3A_58 = tpu.memref_slice %arg4[%add3A, %mul3A_53, %dma_start3A_57] : memref<32x6400x128xf32, #tpu.memory_space<hbm>> -> memref<1x64x128xf32, #tpu.memory_space<hbm>>
      %dma_start3A_59 = tpu.memref_squeeze %dma_start3A_58 : memref<1x64x128xf32, #tpu.memory_space<hbm>> -> memref<64x128xf32, #tpu.memory_space<hbm>>
      tpu.enqueue_dma source(%arg6 : memref<64x128xf32, #tpu.memory_space<vmem>>) target(%dma_start3A_59 : memref<64x128xf32, #tpu.memory_space<hbm>>) target_semaphore(%arg16 : memref<!tpu.dma_semaphore, #tpu.memory_space<semaphore_mem>>)
      %dma_wait3A_60 = arith.constant 0 : i32
      %dma_wait3A_61 = arith.constant 0 : i32
      %dma_wait3A_62 = tpu.memref_slice %arg5[%dma_wait3A_60, %dma_wait3A_61] : memref<100x64xi32, #tpu.memory_space<vmem>> -> memref<1x64xi32, #tpu.memory_space<vmem>>
      %dma_wait3A_63 = tpu.memref_squeeze %dma_wait3A_62 : memref<1x64xi32, #tpu.memory_space<vmem>> -> memref<64xi32, #tpu.memory_space<vmem>>
      %dma_wait3A_64 = arith.constant 0 : i32
      %dma_wait3A_65 = arith.constant 0 : i32
      %dma_wait3A_66 = tpu.memref_slice %arg3[%dma_wait3A_64, %dma_wait3A_65] : memref<100000x128xf32, #tpu.memory_space<hbm>> -> memref<100000x128xf32, #tpu.memory_space<hbm>>
      tpu.wait_indirect_dma semaphore(%arg12 : memref<!tpu.dma_semaphore, #tpu.memory_space<semaphore_mem>>) src(%dma_wait3A_66 : memref<100000x128xf32, #tpu.memory_space<hbm>>) dst(%arg7 : memref<64x128xf32, #tpu.memory_space<vmem>>)
      %add3A_67 = arith.constant 1 : i32
      %add3A_68 = arith.addi %add3A_43, %add3A_67 : i32
      %mul3A_69 = arith.constant 64 : i32
      %mul3A_70 = arith.muli %add3A_68, %mul3A_69 : i32
      %dma_start3A_71 = arith.constant 0 : i32
      %dma_start3A_72 = tpu.memref_slice %arg4[%add3A, %mul3A_70, %dma_start3A_71] : memref<32x6400x128xf32, #tpu.memory_space<hbm>> -> memref<1x64x128xf32, #tpu.memory_space<hbm>>
      %dma_start3A_73 = tpu.memref_squeeze %dma_start3A_72 : memref<1x64x128xf32, #tpu.memory_space<hbm>> -> memref<64x128xf32, #tpu.memory_space<hbm>>
      %dma_start3A_74 = arith.constant 0 : i32
      %dma_start3A_75 = tpu.memref_slice %arg4[%add3A, %mul3A_70, %dma_start3A_74] : memref<32x6400x128xf32, #tpu.memory_space<hbm>> -> memref<1x64x128xf32, #tpu.memory_space<hbm>>
      %dma_start3A_76 = tpu.memref_squeeze %dma_start3A_75 : memref<1x64x128xf32, #tpu.memory_space<hbm>> -> memref<64x128xf32, #tpu.memory_space<hbm>>
      tpu.enqueue_dma source(%arg7 : memref<64x128xf32, #tpu.memory_space<vmem>>) target(%dma_start3A_76 : memref<64x128xf32, #tpu.memory_space<hbm>>) target_semaphore(%arg17 : memref<!tpu.dma_semaphore, #tpu.memory_space<semaphore_mem>>)
      %dma_wait3A_77 = arith.constant 0 : i32
      %dma_wait3A_78 = arith.constant 0 : i32
      %dma_wait3A_79 = tpu.memref_slice %arg5[%dma_wait3A_77, %dma_wait3A_78] : memref<100x64xi32, #tpu.memory_space<vmem>> -> memref<1x64xi32, #tpu.memory_space<vmem>>
      %dma_wait3A_80 = tpu.memref_squeeze %dma_wait3A_79 : memref<1x64xi32, #tpu.memory_space<vmem>> -> memref<64xi32, #tpu.memory_space<vmem>>
      %dma_wait3A_81 = arith.constant 0 : i32
      %dma_wait3A_82 = arith.constant 0 : i32
      %dma_wait3A_83 = tpu.memref_slice %arg3[%dma_wait3A_81, %dma_wait3A_82] : memref<100000x128xf32, #tpu.memory_space<hbm>> -> memref<100000x128xf32, #tpu.memory_space<hbm>>
      tpu.wait_indirect_dma semaphore(%arg13 : memref<!tpu.dma_semaphore, #tpu.memory_space<semaphore_mem>>) src(%dma_wait3A_83 : memref<100000x128xf32, #tpu.memory_space<hbm>>) dst(%arg8 : memref<64x128xf32, #tpu.memory_space<vmem>>)
      %add3A_84 = arith.constant 2 : i32
      %add3A_85 = arith.addi %add3A_43, %add3A_84 : i32
      %mul3A_86 = arith.constant 64 : i32
      %mul3A_87 = arith.muli %add3A_85, %mul3A_86 : i32
      %dma_start3A_88 = arith.constant 0 : i32
      %dma_start3A_89 = tpu.memref_slice %arg4[%add3A, %mul3A_87, %dma_start3A_88] : memref<32x6400x128xf32, #tpu.memory_space<hbm>> -> memref<1x64x128xf32, #tpu.memory_space<hbm>>
      %dma_start3A_90 = tpu.memref_squeeze %dma_start3A_89 : memref<1x64x128xf32, #tpu.memory_space<hbm>> -> memref<64x128xf32, #tpu.memory_space<hbm>>
      %dma_start3A_91 = arith.constant 0 : i32
      %dma_start3A_92 = tpu.memref_slice %arg4[%add3A, %mul3A_87, %dma_start3A_91] : memref<32x6400x128xf32, #tpu.memory_space<hbm>> -> memref<1x64x128xf32, #tpu.memory_space<hbm>>
      %dma_start3A_93 = tpu.memref_squeeze %dma_start3A_92 : memref<1x64x128xf32, #tpu.memory_space<hbm>> -> memref<64x128xf32, #tpu.memory_space<hbm>>
      tpu.enqueue_dma source(%arg8 : memref<64x128xf32, #tpu.memory_space<vmem>>) target(%dma_start3A_93 : memref<64x128xf32, #tpu.memory_space<hbm>>) target_semaphore(%arg18 : memref<!tpu.dma_semaphore, #tpu.memory_space<semaphore_mem>>)
      %dma_wait3A_94 = arith.constant 0 : i32
      %dma_wait3A_95 = arith.constant 0 : i32
      %dma_wait3A_96 = tpu.memref_slice %arg5[%dma_wait3A_94, %dma_wait3A_95] : memref<100x64xi32, #tpu.memory_space<vmem>> -> memref<1x64xi32, #tpu.memory_space<vmem>>
      %dma_wait3A_97 = tpu.memref_squeeze %dma_wait3A_96 : memref<1x64xi32, #tpu.memory_space<vmem>> -> memref<64xi32, #tpu.memory_space<vmem>>
      %dma_wait3A_98 = arith.constant 0 : i32
      %dma_wait3A_99 = arith.constant 0 : i32
      %dma_wait3A_100 = tpu.memref_slice %arg3[%dma_wait3A_98, %dma_wait3A_99] : memref<100000x128xf32, #tpu.memory_space<hbm>> -> memref<100000x128xf32, #tpu.memory_space<hbm>>
      tpu.wait_indirect_dma semaphore(%arg14 : memref<!tpu.dma_semaphore, #tpu.memory_space<semaphore_mem>>) src(%dma_wait3A_100 : memref<100000x128xf32, #tpu.memory_space<hbm>>) dst(%arg9 : memref<64x128xf32, #tpu.memory_space<vmem>>)
      %add3A_101 = arith.constant 3 : i32
      %add3A_102 = arith.addi %add3A_43, %add3A_101 : i32
      %mul3A_103 = arith.constant 64 : i32
      %mul3A_104 = arith.muli %add3A_102, %mul3A_103 : i32
      %dma_start3A_105 = arith.constant 0 : i32
      %dma_start3A_106 = tpu.memref_slice %arg4[%add3A, %mul3A_104, %dma_start3A_105] : memref<32x6400x128xf32, #tpu.memory_space<hbm>> -> memref<1x64x128xf32, #tpu.memory_space<hbm>>
      %dma_start3A_107 = tpu.memref_squeeze %dma_start3A_106 : memref<1x64x128xf32, #tpu.memory_space<hbm>> -> memref<64x128xf32, #tpu.memory_space<hbm>>
      %dma_start3A_108 = arith.constant 0 : i32
      %dma_start3A_109 = tpu.memref_slice %arg4[%add3A, %mul3A_104, %dma_start3A_108] : memref<32x6400x128xf32, #tpu.memory_space<hbm>> -> memref<1x64x128xf32, #tpu.memory_space<hbm>>
      %dma_start3A_110 = tpu.memref_squeeze %dma_start3A_109 : memref<1x64x128xf32, #tpu.memory_space<hbm>> -> memref<64x128xf32, #tpu.memory_space<hbm>>
      tpu.enqueue_dma source(%arg9 : memref<64x128xf32, #tpu.memory_space<vmem>>) target(%dma_start3A_110 : memref<64x128xf32, #tpu.memory_space<hbm>>) target_semaphore(%arg19 : memref<!tpu.dma_semaphore, #tpu.memory_space<semaphore_mem>>)
      %dma_wait3A_111 = arith.constant 0 : i32
      %dma_wait3A_112 = arith.constant 0 : i32
      %dma_wait3A_113 = tpu.memref_slice %arg5[%dma_wait3A_111, %dma_wait3A_112] : memref<100x64xi32, #tpu.memory_space<vmem>> -> memref<1x64xi32, #tpu.memory_space<vmem>>
      %dma_wait3A_114 = tpu.memref_squeeze %dma_wait3A_113 : memref<1x64xi32, #tpu.memory_space<vmem>> -> memref<64xi32, #tpu.memory_space<vmem>>
      %dma_wait3A_115 = arith.constant 0 : i32
      %dma_wait3A_116 = arith.constant 0 : i32
      %dma_wait3A_117 = tpu.memref_slice %arg3[%dma_wait3A_115, %dma_wait3A_116] : memref<100000x128xf32, #tpu.memory_space<hbm>> -> memref<100000x128xf32, #tpu.memory_space<hbm>>
      tpu.wait_indirect_dma semaphore(%arg15 : memref<!tpu.dma_semaphore, #tpu.memory_space<semaphore_mem>>) src(%dma_wait3A_117 : memref<100000x128xf32, #tpu.memory_space<hbm>>) dst(%arg10 : memref<64x128xf32, #tpu.memory_space<vmem>>)
      %add3A_118 = arith.constant 4 : i32
      %add3A_119 = arith.addi %add3A_43, %add3A_118 : i32
      %mul3A_120 = arith.constant 64 : i32
      %mul3A_121 = arith.muli %add3A_119, %mul3A_120 : i32
      %dma_start3A_122 = arith.constant 0 : i32
      %dma_start3A_123 = tpu.memref_slice %arg4[%add3A, %mul3A_121, %dma_start3A_122] : memref<32x6400x128xf32, #tpu.memory_space<hbm>> -> memref<1x64x128xf32, #tpu.memory_space<hbm>>
      %dma_start3A_124 = tpu.memref_squeeze %dma_start3A_123 : memref<1x64x128xf32, #tpu.memory_space<hbm>> -> memref<64x128xf32, #tpu.memory_space<hbm>>
      %dma_start3A_125 = arith.constant 0 : i32
      %dma_start3A_126 = tpu.memref_slice %arg4[%add3A, %mul3A_121, %dma_start3A_125] : memref<32x6400x128xf32, #tpu.memory_space<hbm>> -> memref<1x64x128xf32, #tpu.memory_space<hbm>>
      %dma_start3A_127 = tpu.memref_squeeze %dma_start3A_126 : memref<1x64x128xf32, #tpu.memory_space<hbm>> -> memref<64x128xf32, #tpu.memory_space<hbm>>
      tpu.enqueue_dma source(%arg10 : memref<64x128xf32, #tpu.memory_space<vmem>>) target(%dma_start3A_127 : memref<64x128xf32, #tpu.memory_space<hbm>>) target_semaphore(%arg20 : memref<!tpu.dma_semaphore, #tpu.memory_space<semaphore_mem>>)
      %dma_wait3A_128 = arith.constant 0 : i32
      %dma_wait3A_129 = arith.constant 0 : i32
      %dma_wait3A_130 = tpu.memref_slice %arg4[%add3A, %dma_wait3A_128, %dma_wait3A_129] : memref<32x6400x128xf32, #tpu.memory_space<hbm>> -> memref<1x64x128xf32, #tpu.memory_space<hbm>>
      %dma_wait3A_131 = tpu.memref_squeeze %dma_wait3A_130 : memref<1x64x128xf32, #tpu.memory_space<hbm>> -> memref<64x128xf32, #tpu.memory_space<hbm>>
      %dma_wait3A_132 = arith.constant 0 : i32
      %dma_wait3A_133 = arith.constant 0 : i32
      %dma_wait3A_134 = tpu.memref_slice %arg4[%add3A, %dma_wait3A_132, %dma_wait3A_133] : memref<32x6400x128xf32, #tpu.memory_space<hbm>> -> memref<1x64x128xf32, #tpu.memory_space<hbm>>
      %dma_wait3A_135 = tpu.memref_squeeze %dma_wait3A_134 : memref<1x64x128xf32, #tpu.memory_space<hbm>> -> memref<64x128xf32, #tpu.memory_space<hbm>>
      tpu.wait_dma2 semaphore(%arg16 : memref<!tpu.dma_semaphore, #tpu.memory_space<semaphore_mem>>) src(%arg6 : memref<64x128xf32, #tpu.memory_space<vmem>>) dst(%dma_wait3A_135 : memref<64x128xf32, #tpu.memory_space<hbm>>)
      %add3A_136 = arith.constant 5 : i32
      %add3A_137 = arith.addi %add3A_43, %add3A_136 : i32
      %add3A_138 = arith.constant 0 : i32
      %add3A_139 = arith.addi %add3A_137, %add3A_138 : i32
      %lt3A = arith.constant 100 : i32
      %lt3A_140 = arith.cmpi slt, %add3A_139, %lt3A : i32
      %convert_element_type3A = arith.extui %lt3A_140 : i1 to i32
      %cond3A = arith.constant 0 : i32
      %cond3A_141 = arith.cmpi ne, %convert_element_type3A, %cond3A : i32
      scf.if %cond3A_141 {
        %add3A_210 = arith.constant 5 : i32
        %add3A_211 = arith.addi %add3A_43, %add3A_210 : i32
        %add3A_212 = arith.constant 0 : i32
        %add3A_213 = arith.addi %add3A_211, %add3A_212 : i32
        %dma_start3A_214 = arith.constant 0 : i32
        %dma_start3A_215 = tpu.memref_slice %arg5[%add3A_213, %dma_start3A_214] : memref<100x64xi32, #tpu.memory_space<vmem>> -> memref<1x64xi32, #tpu.memory_space<vmem>>
        %dma_start3A_216 = tpu.memref_squeeze %dma_start3A_215 : memref<1x64xi32, #tpu.memory_space<vmem>> -> memref<64xi32, #tpu.memory_space<vmem>>
        %dma_start3A_217 = arith.constant 0 : i32
        %dma_start3A_218 = arith.constant 0 : i32
        %dma_start3A_219 = tpu.memref_slice %arg3[%dma_start3A_217, %dma_start3A_218] : memref<100000x128xf32, #tpu.memory_space<hbm>> -> memref<100000x128xf32, #tpu.memory_space<hbm>>
        tpu.enqueue_indirect_dma source(%dma_start3A_219 : memref<100000x128xf32, #tpu.memory_space<hbm>>) target(%arg6 : memref<64x128xf32, #tpu.memory_space<vmem>>) offsets(%dma_start3A_216 : memref<64xi32, #tpu.memory_space<vmem>>) semaphore(%arg11 : memref<!tpu.dma_semaphore, #tpu.memory_space<semaphore_mem>>)
      } else {
      }
      %dma_wait3A_142 = arith.constant 0 : i32
      %dma_wait3A_143 = arith.constant 0 : i32
      %dma_wait3A_144 = tpu.memref_slice %arg4[%add3A, %dma_wait3A_142, %dma_wait3A_143] : memref<32x6400x128xf32, #tpu.memory_space<hbm>> -> memref<1x64x128xf32, #tpu.memory_space<hbm>>
      %dma_wait3A_145 = tpu.memref_squeeze %dma_wait3A_144 : memref<1x64x128xf32, #tpu.memory_space<hbm>> -> memref<64x128xf32, #tpu.memory_space<hbm>>
      %dma_wait3A_146 = arith.constant 0 : i32
      %dma_wait3A_147 = arith.constant 0 : i32
      %dma_wait3A_148 = tpu.memref_slice %arg4[%add3A, %dma_wait3A_146, %dma_wait3A_147] : memref<32x6400x128xf32, #tpu.memory_space<hbm>> -> memref<1x64x128xf32, #tpu.memory_space<hbm>>
      %dma_wait3A_149 = tpu.memref_squeeze %dma_wait3A_148 : memref<1x64x128xf32, #tpu.memory_space<hbm>> -> memref<64x128xf32, #tpu.memory_space<hbm>>
      tpu.wait_dma2 semaphore(%arg17 : memref<!tpu.dma_semaphore, #tpu.memory_space<semaphore_mem>>) src(%arg7 : memref<64x128xf32, #tpu.memory_space<vmem>>) dst(%dma_wait3A_149 : memref<64x128xf32, #tpu.memory_space<hbm>>)
      %add3A_150 = arith.constant 5 : i32
      %add3A_151 = arith.addi %add3A_43, %add3A_150 : i32
      %add3A_152 = arith.constant 1 : i32
      %add3A_153 = arith.addi %add3A_151, %add3A_152 : i32
      %lt3A_154 = arith.constant 100 : i32
      %lt3A_155 = arith.cmpi slt, %add3A_153, %lt3A_154 : i32
      %convert_element_type3A_156 = arith.extui %lt3A_155 : i1 to i32
      %cond3A_157 = arith.constant 0 : i32
      %cond3A_158 = arith.cmpi ne, %convert_element_type3A_156, %cond3A_157 : i32
      scf.if %cond3A_158 {
        %add3A_210 = arith.constant 5 : i32
        %add3A_211 = arith.addi %add3A_43, %add3A_210 : i32
        %add3A_212 = arith.constant 1 : i32
        %add3A_213 = arith.addi %add3A_211, %add3A_212 : i32
        %dma_start3A_214 = arith.constant 0 : i32
        %dma_start3A_215 = tpu.memref_slice %arg5[%add3A_213, %dma_start3A_214] : memref<100x64xi32, #tpu.memory_space<vmem>> -> memref<1x64xi32, #tpu.memory_space<vmem>>
        %dma_start3A_216 = tpu.memref_squeeze %dma_start3A_215 : memref<1x64xi32, #tpu.memory_space<vmem>> -> memref<64xi32, #tpu.memory_space<vmem>>
        %dma_start3A_217 = arith.constant 0 : i32
        %dma_start3A_218 = arith.constant 0 : i32
        %dma_start3A_219 = tpu.memref_slice %arg3[%dma_start3A_217, %dma_start3A_218] : memref<100000x128xf32, #tpu.memory_space<hbm>> -> memref<100000x128xf32, #tpu.memory_space<hbm>>
        tpu.enqueue_indirect_dma source(%dma_start3A_219 : memref<100000x128xf32, #tpu.memory_space<hbm>>) target(%arg7 : memref<64x128xf32, #tpu.memory_space<vmem>>) offsets(%dma_start3A_216 : memref<64xi32, #tpu.memory_space<vmem>>) semaphore(%arg12 : memref<!tpu.dma_semaphore, #tpu.memory_space<semaphore_mem>>)
      } else {
      }
      %dma_wait3A_159 = arith.constant 0 : i32
      %dma_wait3A_160 = arith.constant 0 : i32
      %dma_wait3A_161 = tpu.memref_slice %arg4[%add3A, %dma_wait3A_159, %dma_wait3A_160] : memref<32x6400x128xf32, #tpu.memory_space<hbm>> -> memref<1x64x128xf32, #tpu.memory_space<hbm>>
      %dma_wait3A_162 = tpu.memref_squeeze %dma_wait3A_161 : memref<1x64x128xf32, #tpu.memory_space<hbm>> -> memref<64x128xf32, #tpu.memory_space<hbm>>
      %dma_wait3A_163 = arith.constant 0 : i32
      %dma_wait3A_164 = arith.constant 0 : i32
      %dma_wait3A_165 = tpu.memref_slice %arg4[%add3A, %dma_wait3A_163, %dma_wait3A_164] : memref<32x6400x128xf32, #tpu.memory_space<hbm>> -> memref<1x64x128xf32, #tpu.memory_space<hbm>>
      %dma_wait3A_166 = tpu.memref_squeeze %dma_wait3A_165 : memref<1x64x128xf32, #tpu.memory_space<hbm>> -> memref<64x128xf32, #tpu.memory_space<hbm>>
      tpu.wait_dma2 semaphore(%arg18 : memref<!tpu.dma_semaphore, #tpu.memory_space<semaphore_mem>>) src(%arg8 : memref<64x128xf32, #tpu.memory_space<vmem>>) dst(%dma_wait3A_166 : memref<64x128xf32, #tpu.memory_space<hbm>>)
      %add3A_167 = arith.constant 5 : i32
      %add3A_168 = arith.addi %add3A_43, %add3A_167 : i32
      %add3A_169 = arith.constant 2 : i32
      %add3A_170 = arith.addi %add3A_168, %add3A_169 : i32
      %lt3A_171 = arith.constant 100 : i32
      %lt3A_172 = arith.cmpi slt, %add3A_170, %lt3A_171 : i32
      %convert_element_type3A_173 = arith.extui %lt3A_172 : i1 to i32
      %cond3A_174 = arith.constant 0 : i32
      %cond3A_175 = arith.cmpi ne, %convert_element_type3A_173, %cond3A_174 : i32
      scf.if %cond3A_175 {
        %add3A_210 = arith.constant 5 : i32
        %add3A_211 = arith.addi %add3A_43, %add3A_210 : i32
        %add3A_212 = arith.constant 2 : i32
        %add3A_213 = arith.addi %add3A_211, %add3A_212 : i32
        %dma_start3A_214 = arith.constant 0 : i32
        %dma_start3A_215 = tpu.memref_slice %arg5[%add3A_213, %dma_start3A_214] : memref<100x64xi32, #tpu.memory_space<vmem>> -> memref<1x64xi32, #tpu.memory_space<vmem>>
        %dma_start3A_216 = tpu.memref_squeeze %dma_start3A_215 : memref<1x64xi32, #tpu.memory_space<vmem>> -> memref<64xi32, #tpu.memory_space<vmem>>
        %dma_start3A_217 = arith.constant 0 : i32
        %dma_start3A_218 = arith.constant 0 : i32
        %dma_start3A_219 = tpu.memref_slice %arg3[%dma_start3A_217, %dma_start3A_218] : memref<100000x128xf32, #tpu.memory_space<hbm>> -> memref<100000x128xf32, #tpu.memory_space<hbm>>
        tpu.enqueue_indirect_dma source(%dma_start3A_219 : memref<100000x128xf32, #tpu.memory_space<hbm>>) target(%arg8 : memref<64x128xf32, #tpu.memory_space<vmem>>) offsets(%dma_start3A_216 : memref<64xi32, #tpu.memory_space<vmem>>) semaphore(%arg13 : memref<!tpu.dma_semaphore, #tpu.memory_space<semaphore_mem>>)
      } else {
      }
      %dma_wait3A_176 = arith.constant 0 : i32
      %dma_wait3A_177 = arith.constant 0 : i32
      %dma_wait3A_178 = tpu.memref_slice %arg4[%add3A, %dma_wait3A_176, %dma_wait3A_177] : memref<32x6400x128xf32, #tpu.memory_space<hbm>> -> memref<1x64x128xf32, #tpu.memory_space<hbm>>
      %dma_wait3A_179 = tpu.memref_squeeze %dma_wait3A_178 : memref<1x64x128xf32, #tpu.memory_space<hbm>> -> memref<64x128xf32, #tpu.memory_space<hbm>>
      %dma_wait3A_180 = arith.constant 0 : i32
      %dma_wait3A_181 = arith.constant 0 : i32
      %dma_wait3A_182 = tpu.memref_slice %arg4[%add3A, %dma_wait3A_180, %dma_wait3A_181] : memref<32x6400x128xf32, #tpu.memory_space<hbm>> -> memref<1x64x128xf32, #tpu.memory_space<hbm>>
      %dma_wait3A_183 = tpu.memref_squeeze %dma_wait3A_182 : memref<1x64x128xf32, #tpu.memory_space<hbm>> -> memref<64x128xf32, #tpu.memory_space<hbm>>
      tpu.wait_dma2 semaphore(%arg19 : memref<!tpu.dma_semaphore, #tpu.memory_space<semaphore_mem>>) src(%arg9 : memref<64x128xf32, #tpu.memory_space<vmem>>) dst(%dma_wait3A_183 : memref<64x128xf32, #tpu.memory_space<hbm>>)
      %add3A_184 = arith.constant 5 : i32
      %add3A_185 = arith.addi %add3A_43, %add3A_184 : i32
      %add3A_186 = arith.constant 3 : i32
      %add3A_187 = arith.addi %add3A_185, %add3A_186 : i32
      %lt3A_188 = arith.constant 100 : i32
      %lt3A_189 = arith.cmpi slt, %add3A_187, %lt3A_188 : i32
      %convert_element_type3A_190 = arith.extui %lt3A_189 : i1 to i32
      %cond3A_191 = arith.constant 0 : i32
      %cond3A_192 = arith.cmpi ne, %convert_element_type3A_190, %cond3A_191 : i32
      scf.if %cond3A_192 {
        %add3A_210 = arith.constant 5 : i32
        %add3A_211 = arith.addi %add3A_43, %add3A_210 : i32
        %add3A_212 = arith.constant 3 : i32
        %add3A_213 = arith.addi %add3A_211, %add3A_212 : i32
        %dma_start3A_214 = arith.constant 0 : i32
        %dma_start3A_215 = tpu.memref_slice %arg5[%add3A_213, %dma_start3A_214] : memref<100x64xi32, #tpu.memory_space<vmem>> -> memref<1x64xi32, #tpu.memory_space<vmem>>
        %dma_start3A_216 = tpu.memref_squeeze %dma_start3A_215 : memref<1x64xi32, #tpu.memory_space<vmem>> -> memref<64xi32, #tpu.memory_space<vmem>>
        %dma_start3A_217 = arith.constant 0 : i32
        %dma_start3A_218 = arith.constant 0 : i32
        %dma_start3A_219 = tpu.memref_slice %arg3[%dma_start3A_217, %dma_start3A_218] : memref<100000x128xf32, #tpu.memory_space<hbm>> -> memref<100000x128xf32, #tpu.memory_space<hbm>>
        tpu.enqueue_indirect_dma source(%dma_start3A_219 : memref<100000x128xf32, #tpu.memory_space<hbm>>) target(%arg9 : memref<64x128xf32, #tpu.memory_space<vmem>>) offsets(%dma_start3A_216 : memref<64xi32, #tpu.memory_space<vmem>>) semaphore(%arg14 : memref<!tpu.dma_semaphore, #tpu.memory_space<semaphore_mem>>)
      } else {
      }
      %dma_wait3A_193 = arith.constant 0 : i32
      %dma_wait3A_194 = arith.constant 0 : i32
      %dma_wait3A_195 = tpu.memref_slice %arg4[%add3A, %dma_wait3A_193, %dma_wait3A_194] : memref<32x6400x128xf32, #tpu.memory_space<hbm>> -> memref<1x64x128xf32, #tpu.memory_space<hbm>>
      %dma_wait3A_196 = tpu.memref_squeeze %dma_wait3A_195 : memref<1x64x128xf32, #tpu.memory_space<hbm>> -> memref<64x128xf32, #tpu.memory_space<hbm>>
      %dma_wait3A_197 = arith.constant 0 : i32
      %dma_wait3A_198 = arith.constant 0 : i32
      %dma_wait3A_199 = tpu.memref_slice %arg4[%add3A, %dma_wait3A_197, %dma_wait3A_198] : memref<32x6400x128xf32, #tpu.memory_space<hbm>> -> memref<1x64x128xf32, #tpu.memory_space<hbm>>
      %dma_wait3A_200 = tpu.memref_squeeze %dma_wait3A_199 : memref<1x64x128xf32, #tpu.memory_space<hbm>> -> memref<64x128xf32, #tpu.memory_space<hbm>>
      tpu.wait_dma2 semaphore(%arg20 : memref<!tpu.dma_semaphore, #tpu.memory_space<semaphore_mem>>) src(%arg10 : memref<64x128xf32, #tpu.memory_space<vmem>>) dst(%dma_wait3A_200 : memref<64x128xf32, #tpu.memory_space<hbm>>)
      %add3A_201 = arith.constant 5 : i32
      %add3A_202 = arith.addi %add3A_43, %add3A_201 : i32
      %add3A_203 = arith.constant 4 : i32
      %add3A_204 = arith.addi %add3A_202, %add3A_203 : i32
      %lt3A_205 = arith.constant 100 : i32
      %lt3A_206 = arith.cmpi slt, %add3A_204, %lt3A_205 : i32
      %convert_element_type3A_207 = arith.extui %lt3A_206 : i1 to i32
      %cond3A_208 = arith.constant 0 : i32
      %cond3A_209 = arith.cmpi ne, %convert_element_type3A_207, %cond3A_208 : i32
      scf.if %cond3A_209 {
        %add3A_210 = arith.constant 5 : i32
        %add3A_211 = arith.addi %add3A_43, %add3A_210 : i32
        %add3A_212 = arith.constant 4 : i32
        %add3A_213 = arith.addi %add3A_211, %add3A_212 : i32
        %dma_start3A_214 = arith.constant 0 : i32
        %dma_start3A_215 = tpu.memref_slice %arg5[%add3A_213, %dma_start3A_214] : memref<100x64xi32, #tpu.memory_space<vmem>> -> memref<1x64xi32, #tpu.memory_space<vmem>>
        %dma_start3A_216 = tpu.memref_squeeze %dma_start3A_215 : memref<1x64xi32, #tpu.memory_space<vmem>> -> memref<64xi32, #tpu.memory_space<vmem>>
        %dma_start3A_217 = arith.constant 0 : i32
        %dma_start3A_218 = arith.constant 0 : i32
        %dma_start3A_219 = tpu.memref_slice %arg3[%dma_start3A_217, %dma_start3A_218] : memref<100000x128xf32, #tpu.memory_space<hbm>> -> memref<100000x128xf32, #tpu.memory_space<hbm>>
        tpu.enqueue_indirect_dma source(%dma_start3A_219 : memref<100000x128xf32, #tpu.memory_space<hbm>>) target(%arg10 : memref<64x128xf32, #tpu.memory_space<vmem>>) offsets(%dma_start3A_216 : memref<64xi32, #tpu.memory_space<vmem>>) semaphore(%arg15 : memref<!tpu.dma_semaphore, #tpu.memory_space<semaphore_mem>>)
      } else {
      }
    }
    %scan3A_38 = arith.constant 20 : i32
    return
  }
}

</mosaic_0001>

<sc_bundles>
// kernel: _gather.3.cloned.1.call-start
scs
__scs_entry_jumppad:
0x0: {  	(pc) =	sbr.rel $0x88, $3  }
0x1: {  	(tag) =	ssettag $0x0;
	lr =	simm.s32 $0x1  }
0x2: {  	[smem:$0x3F9F] =	sst lr;
	_ =	strace $0xD0000000  }
0x3: {  	_ = 	snop  }
0x4: {  	_ = 	snop  }
0x5: {  	_ = 	snop  }
0x6: {  	_ = 	snop  }
0x7: {  	_ = 	snop  }
__scs_overlays_trampoline_lowered:
0x8: {  	[smem:$0x3FAE] =	sst s0  }
0x9: {  	[smem:$0x3FAF] =	sst s1  }
0xa: {  	[smem:$0x3FB0] =	sst s2  }
0xb: {  	[smem:$0x3FB1] =	sst s3  }
0xc: {  	[smem:$0x3FB2] =	sst s4  }
0xd: {  	[smem:$0x3FB3] =	sst s5  }
0xe: {  	[smem:$0x3FB4] =	sst s6  }
0xf: {  	[smem:$0x3FB5] =	sst s7  }
0x10: {  	[smem:$0x3FB6] =	sst s8  }
0x11: {  	[smem:$0x3FB7] =	sst s9;
	s0 =	simm.s32 @!p0 $0x0  }
0x12: {  	s1 =	sld [smem:$0x3F9D];
	s0 =	simm.s32 @p0 $0x1  }
0x13: {  	[smem:$0x3FB8] =	sst s0;
	s0 =	simm.s32 @!p1 $0x0  }
0x14: {  	s2 =	sld [smem:$0x3F9C];
	s0 =	simm.s32 @p1 $0x1  }
0x15: {  	[smem:$0x3FB9] =	sst s0;
	s0 =	simm.s32 @!p2 $0x0  }
0x16: {  	s3 =	sld [smem:$0x3FDB];
	s0 =	simm.s32 @p2 $0x1  }
0x17: {  	s4 =	simm.s32 $0x1BF5;
	[smem:$0x3FBB] =	sst s0  }
0x18: {  	s0 =	sld [smem:$0x3F9E];
	_ =	swait.ge [sflag:s4], $0x0  }
0x19: {  	s7 =	sld [smem:$0x3F9F]  }
0x1a: {  	s8 =	sadd.s32 $0xFFFFE003, lr  }
0x1b: {  	s9 =	sadd.s32 $0xFFFFFEF7, lr;
	s5 =	simm.s32 $0xFFFFFFFF;
	p2 =	slt.u32 s8, $0xFFFFF086  }
0x1c: {  	p1 =	slt.u32 s9, $0xF7A;
	s5 =	simm.s32 @!p2 $0x0  }
0x1d: {  	s5 =	simm.s32 @p1 $0x1;
	p0 =	seq.s32 s7, s2  }
0x1e: {  	s7 =	smul.u32 @!p0 $0xF7A, s2;
	p2 =	seq.s32 @!p0 s5, $0x0  }
0x1f: {  	s9 =	smul.u32 $0xF7A, s1;
	s8 =	simm.s32 @!p0 $0x1BF5;
	p2 =	por !p2, p0  }
0x20: {  	[sflag:s8] =	ssyncset.s32 @!p0 $0xFFFFF086;
	s6 =	sadd.s32 @!p0 s3, s7;
	s7 =	simm.s32 @!p0 $0x108  }
0x21: {  	s3 =	sadd.s32 s3, s9;
	s6 =	sadd.s32 @!p0 $0x88, s6;
	s7 =	simm.s32 @p2 $0x1082  }
0x22: {  	[simem:s7], [sflag:s8] =	dma.local @!p0 [hbm:s6], $0xF7A  }
0x23: {  	s9 =	sor.u32 $0xD0000000, s2;
	s6 =	simm.s32 $0x108;
	_ =	swait.ge @!p0 [sflag:s8], $0x0  }
0x24: {  	s3 =	sadd.s32 $0x88, s3;
	s6 =	simm.s32 @!p1 $0x1082;
	[sflag:s4] =	ssyncset.s32 $0xFFFFF086  }
0x25: {  	[simem:s6], [sflag:s4] =	dma.local [hbm:s3], $0xF7A  }
0x26: {  	[smem:$0x3F9F] =	sst s1;
	(tag) =	ssettag s2;
	_ =	strace s9  }
0x27: {  	s1 =	sld [smem:$0x3FAF]  }
0x28: {  	s2 =	sld [smem:$0x3FB0]  }
0x29: {  	s4 =	sld [smem:$0x3FB2]  }
0x2a: {  	p0 =	seq.s32 s5, $0x0;
	s5 =	sld [smem:$0x3FB3]  }
0x2b: {  	s6 =	sld [smem:$0x3FB4]  }
0x2c: {  	s7 =	sld [smem:$0x3FB5]  }
0x2d: {  	s3 =	simm.s32 $0x108;
	s8 =	sld [smem:$0x3FB6]  }
0x2e: {  	s3 =	simm.s32 @!p0 $0x1082;
	s9 =	sld [smem:$0x3FB7]  }
0x2f: {  	lr =	sadd.s32 s0, s3;
	s0 =	sld [smem:$0x3FAE]  }
0x30: {  	s3 =	sld [smem:$0x3FB1]  }
0x31: {  	[smem:$0x3FBA] =	sst s10  }
0x32: {  	s10 =	sld [smem:$0x3FB8];
	_ =	sdelay $0x3  }
0x33: {  	p0 =	seq.s32 s10, $0x1;
	s10 =	sld [smem:$0x3FBA];
	_ =	sdelay $0x3  }
0x34: {  	[smem:$0x3FBA] =	sst s10  }
0x35: {  	s10 =	sld [smem:$0x3FB9];
	_ =	sdelay $0x3  }
0x36: {  	p1 =	seq.s32 s10, $0x1;
	s10 =	sld [smem:$0x3FBA];
	_ =	sdelay $0x3  }
0x37: {  	[smem:$0x3FBA] =	sst s10  }
0x38: {  	s10 =	sld [smem:$0x3FBB]  }
0x39: {  	_ = 	snop;
	(pc) =	sbr.ind lr, $3  }
0x3a: {  	_ = 	snop  }
0x3b: {  	_ = 	snop  }
0x3c: {  	p2 =	seq.s32 s10, $0x1;
	s10 =	sld [smem:$0x3FBA]  }
0x3d: {  	_ =	shalt  }
0x3e: {  	_ =	shalt  }
0x3f: {  	_ =	shalt  }
0x40: {  	_ =	shalt  }
0x41: {  	_ =	shalt  }
0x42: {  	_ =	shalt  }
0x43: {  	_ =	shalt  }
0x44: {  	_ =	shalt  }
0x45: {  	_ =	shalt  }
0x46: {  	_ =	shalt  }
0x47: {  	_ =	shalt  }
0x48: {  	_ =	shalt  }
0x49: {  	_ =	shalt  }
0x4a: {  	_ =	shalt  }
0x4b: {  	_ =	shalt  }
0x4c: {  	_ =	shalt  }
0x4d: {  	_ =	shalt  }
0x4e: {  	_ =	shalt  }
0x4f: {  	_ =	shalt  }
0x50: {  	_ =	shalt  }
0x51: {  	_ =	shalt  }
0x52: {  	_ =	shalt  }
0x53: {  	_ =	shalt  }
0x54: {  	_ =	shalt  }
0x55: {  	_ =	shalt  }
0x56: {  	_ =	shalt  }
0x57: {  	_ =	shalt  }
0x58: {  	_ =	shalt  }
0x59: {  	_ =	shalt  }
0x5a: {  	_ =	shalt  }
0x5b: {  	_ =	shalt  }
0x5c: {  	_ =	shalt  }
0x5d: {  	_ =	shalt  }
0x5e: {  	_ =	shalt  }
0x5f: {  	_ =	shalt  }
0x60: {  	_ =	shalt  }
0x61: {  	_ =	shalt  }
0x62: {  	_ =	shalt  }
0x63: {  	_ =	shalt  }
0x64: {  	_ =	shalt  }
0x65: {  	_ =	shalt  }
0x66: {  	_ =	shalt  }
0x67: {  	_ =	shalt  }
0x68: {  	_ =	shalt  }
0x69: {  	_ =	shalt  }
0x6a: {  	_ =	shalt  }
0x6b: {  	_ =	shalt  }
0x6c: {  	_ =	shalt  }
0x6d: {  	_ =	shalt  }
0x6e: {  	_ =	shalt  }
0x6f: {  	_ =	shalt  }
0x70: {  	_ =	shalt  }
0x71: {  	_ =	shalt  }
0x72: {  	_ =	shalt  }
0x73: {  	_ =	shalt  }
0x74: {  	_ =	shalt  }
0x75: {  	_ =	shalt  }
0x76: {  	_ =	shalt  }
0x77: {  	_ =	shalt  }
0x78: {  	_ =	shalt  }
0x79: {  	_ =	shalt  }
0x7a: {  	_ =	shalt  }
0x7b: {  	_ =	shalt  }
0x7c: {  	_ =	shalt  }
0x7d: {  	_ =	shalt  }
0x7e: {  	_ =	shalt  }
0x7f: {  	_ =	shalt  }
0x80: {  	_ =	shalt  }
0x81: {  	_ =	shalt  }
0x82: {  	_ =	shalt  }
0x83: {  	_ =	shalt  }
0x84: {  	_ =	shalt  }
0x85: {  	_ =	shalt  }
0x86: {  	_ =	shalt  }
0x87: {  	_ =	shalt  }
.Lfunc_end0:
.L_simem_size_0:
called_computation_lowered:
.L_overlay_start_0:
0x88: {  	s2 =	sld [smem:$0x3FD9]  }
0x89: {  	s3 =	sld [smem:$0x3FFE];
	_ =	sdelay $0x1  }
0x8a: {  	s1 =	srdreg.scid  }
0x8b: {  	s0 =	sand.u32 $0x1, s1  }
0x8c: {  	s17 =	sshll.u32 s0, $0xA;
	s2 =	sadd.s32 s3, s2  }
0x8d: {  	s2 =	sadd.s32 s2, s17  }
0x8e: {  	[smem:$0x3FC6] =	sst s2  }
0x8f: {  	_ = 	snop  }
0x90: {  	s2 =	sld [smem:$0x3FC8]  }
0x91: {  	s18 =	sld [smem:$0x3FD0];
	(tm) =	ssettm $0x1  }
0x92: {  	s4 =	sld [smem:$0x3FFB];
	_ =	sdelay $0x3  }
0x93: {  	_ =	strace s4  }
0x94: {  	s4 =	sld [smem:$0x3FFC];
	_ =	sdelay $0x3  }
0x95: {  	_ =	strace s4  }
0x96: {  	s4 =	sld [smem:$0x3FFD];
	_ =	sdelay $0x3  }
0x97: {  	_ =	strace s4  }
0x98: {  	_ =	strace $0x8FFFFFFF  }
0x99: {  	s19 =	sld [smem:$0x3FDB];
	_ =	sdelay $0x1  }
0x9a: {  	s5 =	simm.s32 $_scs_section_size  }
0x9b: {  	s6 =	simm.s32 $_size__tile_overlayer_lowered;
	s7 =	simm.s32 $_tile_overlayer_lowered  }
0x9c: {  	s22 =	simm.s32 $0x1BFF;
	s21 =	sshll.u32 s7, $0x1;
	s4 =	sadd.s32 s5, s19  }
0x9d: {  	s8 =	simm.s32 $0x0;
	s20 =	sshll.u32 s6, $0x1;
	s6 =	sadd.s32 s21, s4  }
0x9e: {  	[timem:s8], [sflag:s22] =	dma.local [hbm:s6], s20  }
0x9f: {  	_ =	swait.ge [sflag:s22], s20  }
0xa0: {  	s5 =	ssub.s32 $0x0, s20;
	[sflag:s22] =	ssyncset.done $0x0  }
0xa1: {  	[sflag:s22] =	ssyncadd.s32 s5;
	_ =	sdelay $0x1  }
0xa2: {  	s23 =	simm.s32 $0x1B8B  }
0xa3: {  	_ =	swait.ge [sflag:s23], $0x1  }
0xa4: {  	[sflag:s23] =	ssyncset.done $0x0  }
0xa5: {  	s25 =	simm.s32 $0x1B8E;
	s24 =	sld [smem:$0x3FFE];
	[sflag:s23] =	ssyncadd.s32 $0xFFFFFFFF  }
0xa6: {  	s26 =	simm.s32 $execute0_lowered;
	[smem:$0x3FD2] =	sst s25  }
0xa7: {  	s6 =	sshll.u32 s26, $0x1;
	_ =	strace $0x80000046;
	[dreg:$0x1] =	wrdreg $0xFFFFFFFF  }
0xa8: {  	s28 =	simm.s32 $_size_execute0_lowered;
	s4 =	sadd.s32 s4, s6;
	[dreg:$0x0] =	wrdreg $0x0  }
0xa9: {  	s6 =	sshll.u32 s28, $0x1;
	[dreg:$0x2] =	wrdreg s4  }
0xaa: {  	[dreg:$0x3] =	wrdreg s6  }
0xab: {  	[dreg:$0x4] =	wrdreg $0xC0  }
0xac: {  	_ =	task [dreg:s8], $0x5FFFF  }
0xad: {  	[dreg:$0x1] =	wrdreg $0xFFFFFFFF  }
0xae: {  	[dreg:$0x0] =	wrdreg $0x60  }
0xaf: {  	[dreg:$0x2] =	wrdreg s24  }
0xb0: {  	[dreg:$0x3] =	wrdreg s2  }
0xb1: {  	[dreg:$0x4] =	wrdreg s18  }
0xb2: {  	[dreg:$0x5] =	wrdreg $0x9  }
0xb3: {  	_ =	task.clear_ibuf [dreg:s8], $0x6FFFF;
	_ =	strace $0x90000046  }
0xb4: {  	s29 =	simm.s32 $0x9;
	_ =	strace $0x80000048  }
0xb5: {  	_ =	swait.ge [sflag:s29], $0x1  }
0xb6: {  	[sflag:s29] =	ssyncadd.s32 $0xFFFFFFFF  }
0xb7: {  	_ =	strace $0x90000048  }
0xb8: {  	_ =	sfence  }
0xb9: {  	s30 =	sld [smem:$0x0];
	_ =	sdelay $0x2  }
0xba: {  	s31 =	sshll.u32 s1, $0xD;
	s1 =	sshrl.u32 s1, $0x2  }
0xbb: {  	s3 =	sand.u32 $0x4000, s31;
	s1 =	sadd.s32 s1, s30  }
0xbc: {  	s0 =	sor.u32 s3, s0;
	s1 =	sshll.u32 s1, $0x11  }
0xbd: {  	s0 =	sor.u32 s1, s0  }
0xbe: {  	s0 =	sadd.s32 $0x8F2B, s0  }
0xbf: {  	[sflag:s0] =	ssyncadd.remote.s32 $0x1  }
0xc0: {  	_ =	sfence.sel $0xFFFF  }
0xc1: {  	[dreg:$0x0] =	wrdreg $0xFFFFFFFF;
	(pc) =	sbr.abs _section_cstart, $3  }
0xc2: {  	[dreg:$0x1] =	wrdreg $0xFFFFFFFF  }
0xc3: {  	_ =	task.clear_ibuf [dreg:s8], $0x2FFFF;
	_ =	strace $0x9FFFFFFF  }
0xc4: {  	(tm) =	ssettm $0x7FFFFFFF  }
0xc5: {  	_ =	shalt  }
tec
execute0_lowered:
.L_overlay_start_1:
0x0: {  	(tag) =	ssettag $0x1  }
0x1: {  	s0 =	srdreg.scid;
	s1 =	rddreg [dreg:$0x0]  }
0x2: {  	s6 =	stileid.u32;
	s2 =	rddreg [dreg:$0x1]  }
0x3: {  	s5 =	rddreg [dreg:$0x2];
	s11 =	simm.s32 $0xB;
	s12 =	simm.s32 $0x40  }
0x4: {  	s13 =	simm.s32 $0x3400;
	s15 =	simm.s32 $0x5400;
	s28 =	simm.s32 $0x6  }
0x5: {  	s29 =	simm.s32 $0x7;
	s30 =	simm.s32 $0x8;
	s31 =	simm.s32 $0x9  }
0x6: {  	s0 =	sand.u32 $0x1, s0;
	s3 =	sshll.u32 s6, $0x1;
	s6 =	smul.u32 $0x190000, s6  }
0x7: {  	s3 =	sor.u32 s0, s3;
	s7 =	smul.u32 $0xC8000, s0;
	s0 =	ssub.s32 $0x2, s0  }
0x8: {  	s4 =	smul.u32 $0x680, s3;
	s3 =	simm.s32 $0x0;
	s17 =	sshrl.u32 s0, $0x1  }
0x9: {  	[smem:$0x7FF] =	sst s3;
	s6 =	sadd.s32 s7, s6;
	s0 =	ssub.s32 s0, s17  }
0xa: {  	s17 =	simm.s32 $0x7400;
	_ =	strace $0x80000047;
	s1 =	sadd.s32 s4, s1  }
0xb: {  	s18 =	sadd.s32 $0x8000, s6;
	s0 =	smax.u32 s0, $0x1;
	s20 =	sor.u32 $0x6000, s6  }
0xc: {  	s22 =	sor.u32 $0x4000, s6;
	s24 =	sor.u32 $0x2000, s6;
	s26 =	sshrl.u32 s6, $0x3  }
0xd: {  	s1 =	sadd.s32 $0x400, s1;
	[dreg:$0x5] =	wrdreg s0;
	s19 =	sshrl.u32 s18, $0x3  }
0xe: {  	s21 =	sshrl.u32 s20, $0x3;
	s23 =	sshrl.u32 s22, $0x3;
	s25 =	sshrl.u32 s24, $0x3  }
0xf: {  	s14 =	sadd.s32 s26, s5;
	s22 =	simm.s32 $0x1;
	s24 =	simm.s32 $0x3  }
.Ltmp0:
0x10: {  	s26 =	simm.s32 $0x5;
	[dreg:$0x4] =	wrdreg s1;
	(pc) =	sbr.rel .LBB2_1-.Ltmp0, $4  }
0x11: {  	s0 =	sadd.s32 s19, s5;
	s18 =	sadd.s32 s23, s5;
	s16 =	sadd.s32 s25, s5  }
0x12: {  	s19 =	simm.s32 $0x9400;
	s23 =	simm.s32 $0x2;
	s25 =	simm.s32 $0x4  }
0x13: {  	s1 =	simm.s32 $0xA;
	[dreg:$0x6] =	wrdreg s0;
	s0 =	sadd.s32 s21, s5  }
0x14: {  	s21 =	simm.s32 $0xB400;
	[dreg:$0x7] =	wrdreg s0;
	s0 =	simm.s32 $0x0  }
.LBB2_4:
0x15: {  	_ =	swait.ge [sflag:s29], $0x2000  }
0x16: {  	[sflag:s29] =	ssyncset.done $0x0  }
0x17: {  	[sflag:s29] =	ssyncadd.s32 $0xFFFFE000  }
0x18: {  	_ =	swait.ge [sflag:s30], $0x2000  }
0x19: {  	[sflag:s30] =	ssyncset.done $0x0  }
0x1a: {  	[sflag:s30] =	ssyncadd.s32 $0xFFFFE000  }
0x1b: {  	_ =	swait.ge [sflag:s31], $0x2000  }
0x1c: {  	[sflag:s31] =	ssyncset.done $0x0  }
0x1d: {  	[sflag:s31] =	ssyncadd.s32 $0xFFFFE000  }
0x1e: {  	_ =	swait.ge [sflag:s1], $0x2000  }
0x1f: {  	s0 =	sadd.s32 $0x1, s0;
	s4 =	rddreg [dreg:$0x5]  }
0x20: {  	p0 =	sne.s32 s0, s4  }
.Ltmp1:
0x21: {  	_ = 	snop;
	(pc) =	sbr.rel @!p0 .LBB2_5-.Ltmp1, $3  }
0x22: {  	_ =	sdelay $0x1  }
0x23: {  	[sflag:s1] =	ssyncset.done $0x0  }
0x24: {  	[sflag:s1] =	ssyncadd.s32 $0xFFFFE000  }
.LBB2_1:
0x25: {  	s4 =	rddreg [dreg:$0x4]  }
0x26: {  	[tilespmem:s3], [sflag:$0xB] =	stream.linear.gather [hbm4b:s4+s3], $0x3200, $0x38;
	[tilespmem:$0xD400] =	vst v63  }
0x27: {  	_ =	swait.ge [sflag:s11], $0x3200  }
0x28: {  	[sflag:s11] =	ssyncset.done $0x0  }
0x29: {  	[sflag:s11] =	ssyncadd.s32 $0xFFFFCE00  }
0x2a: {  	[tilespmem:s13], [sflag:$0x1] =	stream.indirect.gather [hbm4b:s2+s12], $0x80, s3, s12, $0xb8;
	[tilespmem:$0xD400] =	vst v63  }
0x2b: {  	s8 =	simm.s32 $0x80  }
0x2c: {  	[tilespmem:s15], [sflag:$0x2] =	stream.indirect.gather [hbm4b:s2+s12], $0x80, s8, s12, $0xb8;
	[tilespmem:$0xD400] =	vst v63  }
0x2d: {  	s9 =	simm.s32 $0x100;
	s10 =	simm.s32 $0x180;
	s7 =	rddreg [dreg:$0x7]  }
0x2e: {  	[tilespmem:s17], [sflag:$0x3] =	stream.indirect.gather [hbm4b:s2+s12], $0x80, s9, s12, $0xb8;
	[tilespmem:$0xD400] =	vst v63  }
0x2f: {  	s20 =	simm.s32 $0x200;
	s5 =	simm.s32 $0x0;
	s6 =	rddreg [dreg:$0x6]  }
0x30: {  	[tilespmem:s19], [sflag:$0x4] =	stream.indirect.gather [hbm4b:s2+s12], $0x80, s10, s12, $0xb8;
	[tilespmem:$0xD400] =	vst v63  }
0x31: {  	s8 =	smov.u32 s18;
	s9 =	smov.u32 s16;
	s10 =	smov.u32 s14  }
0x32: {  	[tilespmem:s21], [sflag:$0x5] =	stream.indirect.gather [hbm4b:s2+s12], $0x80, s20, s12, $0xb8;
	[tilespmem:$0xD400] =	vst v63  }
.LBB2_2:
0x33: {  	_ =	swait.ge [sflag:s22], $0x2000  }
0x34: {  	[sflag:s22] =	ssyncset.done $0x0  }
0x35: {  	[sflag:s22] =	ssyncadd.s32 $0xFFFFE000  }
0x36: {  	[hbm4b:s10+s3] =	stream.linear.scatter [tilespmem:s13], [sflag:$0x6], $0x2000, $0x38;
	[tilespmem:$0xD400] =	vst v63  }
0x37: {  	_ =	swait.ge [sflag:s23], $0x2000  }
0x38: {  	[sflag:s23] =	ssyncset.done $0x0  }
0x39: {  	[sflag:s23] =	ssyncadd.s32 $0xFFFFE000  }
0x3a: {  	[hbm4b:s9+s3] =	stream.linear.scatter [tilespmem:s15], [sflag:$0x7], $0x2000, $0x38;
	[tilespmem:$0xD400] =	vst v63  }
0x3b: {  	_ =	swait.ge [sflag:s24], $0x2000  }
0x3c: {  	[sflag:s24] =	ssyncset.done $0x0  }
0x3d: {  	[sflag:s24] =	ssyncadd.s32 $0xFFFFE000  }
0x3e: {  	[hbm4b:s8+s3] =	stream.linear.scatter [tilespmem:s17], [sflag:$0x8], $0x2000, $0x38;
	[tilespmem:$0xD400] =	vst v63  }
0x3f: {  	_ =	swait.ge [sflag:s25], $0x2000  }
0x40: {  	[sflag:s25] =	ssyncset.done $0x0  }
0x41: {  	[sflag:s25] =	ssyncadd.s32 $0xFFFFE000  }
0x42: {  	[hbm4b:s7+s3] =	stream.linear.scatter [tilespmem:s19], [sflag:$0x9], $0x2000, $0x38;
	[tilespmem:$0xD400] =	vst v63  }
0x43: {  	_ =	swait.ge [sflag:s26], $0x2000  }
0x44: {  	p0 =	seq.s32 s5, $0xBE00;
	[sflag:s26] =	ssyncset.done $0x0  }
.Ltmp2:
0x45: {  	[sflag:s26] =	ssyncadd.s32 $0xFFFFE000;
	(pc) =	sbr.rel @p0 .LBB2_4-.Ltmp2, $4  }
0x46: {  	[hbm4b:s6+s3] =	stream.linear.scatter [tilespmem:s21], [sflag:$0xA], $0x2000, $0x38;
	[tilespmem:$0xD400] =	vst v63  }
0x47: {  	_ =	swait.ge [sflag:s28], $0x2000  }
0x48: {  	[sflag:s28] =	ssyncset.done $0x0  }
0x49: {  	[sflag:s28] =	ssyncadd.s32 $0xFFFFE000  }
0x4a: {  	s4 =	sshra.s32 s5, $0x2  }
0x4b: {  	s20 =	sadd.s32 $0x280, s4  }
0x4c: {  	[tilespmem:s13], [sflag:$0x1] =	stream.indirect.gather [hbm4b:s2+s12], $0x80, s20, s12, $0xb8;
	[tilespmem:$0xD400] =	vst v63  }
0x4d: {  	_ =	swait.ge [sflag:s29], $0x2000  }
0x4e: {  	[sflag:s29] =	ssyncset.done $0x0  }
0x4f: {  	s20 =	sadd.s32 $0x300, s4;
	[sflag:s29] =	ssyncadd.s32 $0xFFFFE000  }
0x50: {  	[tilespmem:s15], [sflag:$0x2] =	stream.indirect.gather [hbm4b:s2+s12], $0x80, s20, s12, $0xb8;
	[tilespmem:$0xD400] =	vst v63  }
0x51: {  	_ =	swait.ge [sflag:s30], $0x2000  }
0x52: {  	[sflag:s30] =	ssyncset.done $0x0  }
0x53: {  	s20 =	sadd.s32 $0x380, s4;
	[sflag:s30] =	ssyncadd.s32 $0xFFFFE000  }
0x54: {  	[tilespmem:s17], [sflag:$0x3] =	stream.indirect.gather [hbm4b:s2+s12], $0x80, s20, s12, $0xb8;
	[tilespmem:$0xD400] =	vst v63  }
0x55: {  	_ =	swait.ge [sflag:s31], $0x2000  }
0x56: {  	[sflag:s31] =	ssyncset.done $0x0  }
0x57: {  	s20 =	sadd.s32 $0x400, s4;
	[sflag:s31] =	ssyncadd.s32 $0xFFFFE000  }
0x58: {  	[tilespmem:s19], [sflag:$0x4] =	stream.indirect.gather [hbm4b:s2+s12], $0x80, s20, s12, $0xb8;
	[tilespmem:$0xD400] =	vst v63  }
.Ltmp3:
0x59: {  	s5 =	sadd.s32 $0xA00, s5;
	(pc) =	sbr.rel .LBB2_2-.Ltmp3, $4  }
0x5a: {  	s6 =	sadd.s32 $0x1400, s6;
	s7 =	sadd.s32 $0x1400, s7;
	_ =	swait.ge [sflag:s1], $0x2000  }
0x5b: {  	s8 =	sadd.s32 $0x1400, s8;
	s9 =	sadd.s32 $0x1400, s9;
	[sflag:s1] =	ssyncset.done $0x0  }
0x5c: {  	s10 =	sadd.s32 $0x1400, s10;
	s4 =	sadd.s32 $0x480, s4;
	[sflag:s1] =	ssyncadd.s32 $0xFFFFE000  }
0x5d: {  	[tilespmem:s21], [sflag:$0x5] =	stream.indirect.gather [hbm4b:s2+s12], $0x80, s4, s12, $0xb8;
	[tilespmem:$0xD400] =	vst v63  }
.LBB2_5:
0x5e: {  	_ =	sfence.sel $0x180000  }
0x5f: {  	[bflag:$0x0] =	sbarrier.arrive $0xFFFF  }
0x60: {  	_ =	strace $0x90000047  }
0x61: {  	s0 =	stileid.u32;
	[bflag:$0x2] =	sbarrier.arrive $0xFFFF  }
0x62: {  	p0 =	sne.s32 s0, $0x0;
	s0 =	rddreg [dreg:$0x3]  }
0x63: {  	s0 =	sadd.s32 @!p0 $0x100000, s0  }
0x64: {  	[sflag:s0] =	ssyncadd.tile.s32 @!p0 $0x1;
	_ =	shalt  }
.Lfunc_end2:
_tile_overlayer_lowered:
.L_overlay_start_2:
0x65: {  	(tag) =	ssettag $0x2  }
0x66: {  	s0 =	rddreg [dreg:$0x0];
	s2 =	stileid.u32  }
0x67: {  	s1 =	rddreg [dreg:$0x1];
	p0 =	sne.s32 s2, $0x0  }
0x68: {  	s3 =	rddreg [dreg:$0x2];
	[bflag:$0x3] =	sbarrier.arrive $0xFFFF;
	s2 =	simm.s32 @!p0 $0x1C0B  }
0x69: {  	[timem:s3], [sflag:s2] =	dma.local @!p0 [hbm:s0], s1  }
0x6a: {  	s0 =	simm.s32 @!p0 $0xB  }
0x6b: {  	_ =	swait.ge @!p0 [sflag:s0], s1  }
0x6c: {  	s1 =	ssub.s32 @!p0 $0x0, s1;
	[sflag:s0] =	ssyncset.done @!p0 $0x0  }
0x6d: {  	[sflag:s0] =	ssyncadd.s32 @!p0 s1  }
0x6e: {  	[bflag:$0x3] =	sbarrier.arrive $0xFFFF  }
0x6f: {  	_ =	shalt  }

</sc_bundles>
